<compile_context>
chip_gen: v7x
topology: tpu7x:2x2x1
jax: 0.10.2.dev20260603
libtpu: 0.0.44.dev20260713+nightly
codegen_flags: <defaults>
</compile_context>

<pallas_src>
import functools

import jax
import jax.numpy as jnp
from jax import lax
from jax.experimental import pallas as pl
from jax.experimental.pallas import tpu as pltpu
from jax.experimental.pallas import tpu_sc as plsc

_B = 16384
_NW = 32
_CHUNK = _B // _NW
_L = 16
_XP_OFF = 2 * _B
_TAB_OFF = 4 * _B


def _sc_body(pidx_hbm, out_hbm, xv, xpv, av, bv, ev, outv,
             sem0, sem1, sem2, sem3):
    wid = lax.axis_index("s") * 2 + lax.axis_index("c")
    base = wid * _CHUNK
    cx = pltpu.async_copy(pidx_hbm.at[pl.ds(2 * base, 2 * _CHUNK)], xv, sem0)
    cxp = pltpu.async_copy(
        pidx_hbm.at[pl.ds(_XP_OFF + 2 * base, 2 * _CHUNK)], xpv, sem1)
    ca = pltpu.async_copy(pidx_hbm.at[pl.ds(_TAB_OFF, 64)], av, sem2)
    cb = pltpu.async_copy(pidx_hbm.at[pl.ds(_TAB_OFF + 64, _L)], bv, sem3)
    cb.wait()
    ca.wait()

    beta = plsc.bitcast(bv[...], jnp.float32)
    dgrid = lax.iota(jnp.int32, _L).astype(jnp.float32)
    ev[...] = beta * jnp.exp(-beta * dgrid)
    cx.wait()
    cxp.wait()

    def step(j, carry):
        r2 = 2 * (j * _L + lax.iota(jnp.int32, _L))
        x0 = plsc.load_gather(xv, [r2])
        x1 = plsc.load_gather(xv, [r2 + 1])
        xp0 = plsc.load_gather(xpv, [r2])
        xp1 = plsc.load_gather(xpv, [r2 + 1])
        dt = jnp.abs(x0 - xp0)
        a_ = plsc.bitcast(plsc.load_gather(av, [xp1 * 8 + x1]),
                          jnp.float32)
        e_ = plsc.load_gather(ev, [dt])
        outv[pl.ds(j * _L, _L)] = a_ * e_
        return carry

    lax.fori_loop(0, _CHUNK // _L, step, 0)
    pltpu.sync_copy(outv, out_hbm.at[pl.ds(base, _CHUNK)])


@functools.partial(
    pl.kernel,
    out_type=jax.ShapeDtypeStruct((_B,), jnp.float32),
    mesh=plsc.VectorSubcoreMesh(core_axis_name="c", subcore_axis_name="s"),
    compiler_params=pltpu.CompilerParams(
        needs_layout_passes=False, use_tc_tiling_on_sc=False),
    scratch_types=[
        pltpu.VMEM((2 * _CHUNK,), jnp.int32),
        pltpu.VMEM((2 * _CHUNK,), jnp.int32),
        pltpu.VMEM((64,), jnp.int32),
        pltpu.VMEM((_L,), jnp.int32),
        pltpu.VMEM((_L,), jnp.float32),
        pltpu.VMEM((_CHUNK,), jnp.float32),
        pltpu.SemaphoreType.DMA,
        pltpu.SemaphoreType.DMA,
        pltpu.SemaphoreType.DMA,
        pltpu.SemaphoreType.DMA,
    ],
)
def _sc_kernel(pidx_hbm, out_hbm, *scratch):
    _sc_body(pidx_hbm, out_hbm, *scratch)


def kernel(x, xp, alpha, beta):
    tab = jnp.concatenate(
        [alpha.reshape(-1), jnp.broadcast_to(beta, (_L,))])
    pidx = jnp.concatenate([
        jnp.concatenate([x, xp], axis=0).reshape(-1),
        lax.bitcast_convert_type(tab, jnp.int32),
    ])
    return _sc_kernel(pidx)

# --- scband reference (transcript-rebuilt; emitter-appended) ---
"""Pipeline reference for scband-exponential-multivariate-kernel-31009663877512 (READ-ONLY COPY).

The authoritative reference and input builder live on the scoring server;
editing this copy changes nothing except your own understanding.
"""

import jax, jax.numpy as jnp
import numpy as np

S = 8
B = 16384

def setup_inputs(seed: int = 0):
    key = jax.random.key(seed)
    k1, k2, k3 = jax.random.split(key, 3)
    x = jax.random.randint(k1, (B, 2), 0, S, dtype=jnp.int32)
    xp = jax.random.randint(k2, (B, 2), 0, S, dtype=jnp.int32)
    alpha = jax.random.uniform(k3, (S, S), dtype=jnp.float32, minval=0.05, maxval=0.15)
    beta = jnp.array([1.5], dtype=jnp.float32)
    return {"x": x, "xp": xp, "alpha": alpha, "beta": beta}

def reference(x, xp, alpha, beta):
    # gather: alpha_[b] = alpha[xp[b,1], x[b,1]]
    alpha_ = alpha[xp[:, 1], x[:, 1]]
    dt = jnp.abs((x[:, 0] - xp[:, 0]).astype(jnp.float32))
    val = alpha_ * beta * jnp.exp(-beta * dt)
    return val

if __name__ == "__main__":
    import jax
    _d = setup_inputs()
    print(jax.jit(kernel)(*tuple(_d.values())))

</pallas_src>

<mosaic_0001>
#map = affine_map<(d0, d1) -> (0)>
module attributes {stable_mosaic.version = 14 : i64} {
  func.func @_sc_kernel(%arg0: i32, %arg1: i32, %arg2: memref<65616xi32, #tpu.memory_space<hbm>>, %arg3: memref<16384xf32, #tpu.memory_space<hbm>>, %arg4: memref<1024xi32, #tpu.memory_space<vmem>>, %arg5: memref<1024xi32, #tpu.memory_space<vmem>>, %arg6: memref<64xi32, #tpu.memory_space<vmem>>, %arg7: memref<16xi32, #tpu.memory_space<vmem>>, %arg8: memref<16xf32, #tpu.memory_space<vmem>>, %arg9: memref<512xf32, #tpu.memory_space<vmem>>, %arg10: memref<!tpu.dma_semaphore, #tpu.memory_space<semaphore_mem>>, %arg11: memref<!tpu.dma_semaphore, #tpu.memory_space<semaphore_mem>>, %arg12: memref<!tpu.dma_semaphore, #tpu.memory_space<semaphore_mem>>, %arg13: memref<!tpu.dma_semaphore, #tpu.memory_space<semaphore_mem>>) attributes {dimension_semantics = [#tpu.dimension_semantics<core_parallel>, #tpu.dimension_semantics<subcore_parallel>], iteration_bounds = array<i64: 2, 16>, scalar_prefetch = 0 : i64, scratch_operands = 10 : i64, tpu.core_type = #tpu.core_type<sc_vector_subcore>, window_params = [{transform_indices = #map}, {transform_indices = #map}]} {
    %mul3A = arith.constant 2 : i32
    %mul3A_0 = arith.muli %arg1, %mul3A : i32
    %add3A = arith.addi %mul3A_0, %arg0 : i32
    %mul3A_1 = arith.constant 512 : i32
    %mul3A_2 = arith.muli %add3A, %mul3A_1 : i32
    %mul3A_3 = arith.constant 2 : i32
    %mul3A_4 = arith.muli %mul3A_3, %mul3A_2 : i32
    %dma_start3A = tpu.memref_slice %arg2[%mul3A_4] : memref<65616xi32, #tpu.memory_space<hbm>> -> memref<1024xi32, #tpu.memory_space<hbm>>
    %dma_start3A_5 = tpu.memref_slice %arg2[%mul3A_4] : memref<65616xi32, #tpu.memory_space<hbm>> -> memref<1024xi32, #tpu.memory_space<hbm>>
    tpu.enqueue_dma source(%dma_start3A_5 : memref<1024xi32, #tpu.memory_space<hbm>>) target(%arg4 : memref<1024xi32, #tpu.memory_space<vmem>>) target_semaphore(%arg10 : memref<!tpu.dma_semaphore, #tpu.memory_space<semaphore_mem>>)
    %mul3A_6 = arith.constant 2 : i32
    %mul3A_7 = arith.muli %mul3A_6, %mul3A_2 : i32
    %add3A_8 = arith.constant 32768 : i32
    %add3A_9 = arith.addi %add3A_8, %mul3A_7 : i32
    %dma_start3A_10 = tpu.memref_slice %arg2[%add3A_9] : memref<65616xi32, #tpu.memory_space<hbm>> -> memref<1024xi32, #tpu.memory_space<hbm>>
    %dma_start3A_11 = tpu.memref_slice %arg2[%add3A_9] : memref<65616xi32, #tpu.memory_space<hbm>> -> memref<1024xi32, #tpu.memory_space<hbm>>
    tpu.enqueue_dma source(%dma_start3A_11 : memref<1024xi32, #tpu.memory_space<hbm>>) target(%arg5 : memref<1024xi32, #tpu.memory_space<vmem>>) target_semaphore(%arg11 : memref<!tpu.dma_semaphore, #tpu.memory_space<semaphore_mem>>)
    %dma_start3A_12 = arith.constant 65536 : i32
    %dma_start3A_13 = tpu.memref_slice %arg2[%dma_start3A_12] : memref<65616xi32, #tpu.memory_space<hbm>> -> memref<64xi32, #tpu.memory_space<hbm>>
    %dma_start3A_14 = arith.constant 65536 : i32
    %dma_start3A_15 = tpu.memref_slice %arg2[%dma_start3A_14] : memref<65616xi32, #tpu.memory_space<hbm>> -> memref<64xi32, #tpu.memory_space<hbm>>
    tpu.enqueue_dma source(%dma_start3A_15 : memref<64xi32, #tpu.memory_space<hbm>>) target(%arg6 : memref<64xi32, #tpu.memory_space<vmem>>) target_semaphore(%arg12 : memref<!tpu.dma_semaphore, #tpu.memory_space<semaphore_mem>>)
    %dma_start3A_16 = arith.constant 65600 : i32
    %dma_start3A_17 = tpu.memref_slice %arg2[%dma_start3A_16] : memref<65616xi32, #tpu.memory_space<hbm>> -> memref<16xi32, #tpu.memory_space<hbm>>
    %dma_start3A_18 = arith.constant 65600 : i32
    %dma_start3A_19 = tpu.memref_slice %arg2[%dma_start3A_18] : memref<65616xi32, #tpu.memory_space<hbm>> -> memref<16xi32, #tpu.memory_space<hbm>>
    tpu.enqueue_dma source(%dma_start3A_19 : memref<16xi32, #tpu.memory_space<hbm>>) target(%arg7 : memref<16xi32, #tpu.memory_space<vmem>>) target_semaphore(%arg13 : memref<!tpu.dma_semaphore, #tpu.memory_space<semaphore_mem>>)
    %dma_wait3A = arith.constant 65600 : i32
    %dma_wait3A_20 = tpu.memref_slice %arg2[%dma_wait3A] : memref<65616xi32, #tpu.memory_space<hbm>> -> memref<16xi32, #tpu.memory_space<hbm>>
    %dma_wait3A_21 = arith.constant 65600 : i32
    %dma_wait3A_22 = tpu.memref_slice %arg2[%dma_wait3A_21] : memref<65616xi32, #tpu.memory_space<hbm>> -> memref<16xi32, #tpu.memory_space<hbm>>
    tpu.wait_dma2 semaphore(%arg13 : memref<!tpu.dma_semaphore, #tpu.memory_space<semaphore_mem>>) src(%dma_wait3A_22 : memref<16xi32, #tpu.memory_space<hbm>>) dst(%arg7 : memref<16xi32, #tpu.memory_space<vmem>>)
    %dma_wait3A_23 = arith.constant 65536 : i32
    %dma_wait3A_24 = tpu.memref_slice %arg2[%dma_wait3A_23] : memref<65616xi32, #tpu.memory_space<hbm>> -> memref<64xi32, #tpu.memory_space<hbm>>
    %dma_wait3A_25 = arith.constant 65536 : i32
    %dma_wait3A_26 = tpu.memref_slice %arg2[%dma_wait3A_25] : memref<65616xi32, #tpu.memory_space<hbm>> -> memref<64xi32, #tpu.memory_space<hbm>>
    tpu.wait_dma2 semaphore(%arg12 : memref<!tpu.dma_semaphore, #tpu.memory_space<semaphore_mem>>) src(%dma_wait3A_26 : memref<64xi32, #tpu.memory_space<hbm>>) dst(%arg6 : memref<64xi32, #tpu.memory_space<vmem>>)
    %get3A = arith.constant 0 : index
    %get3A_27 = tpu.vector_load %arg7[%get3A] {strides = array<i32>} : memref<16xi32, #tpu.memory_space<vmem>>, vector<16xi32>,
    %bitcast3A = vector.bitcast %get3A_27 : vector<16xi32> to vector<16xf32>
    %iota3A = tpu.iota {dimensions = array<i32: 0>} : vector<16xi32>
    %convert_element_type3A = arith.sitofp %iota3A : vector<16xi32> to vector<16xf32>
    %neg3A = arith.constant 0.000000e+00 : f32
    %neg3A_28 = vector.broadcast %neg3A : f32 to vector<16xf32>
    %neg3A_29 = arith.subf %neg3A_28, %bitcast3A : vector<16xf32>
    %mul3A_30 = arith.mulf %neg3A_29, %convert_element_type3A : vector<16xf32>
    %exp3A = math.exp %mul3A_30 : vector<16xf32>
    %mul3A_31 = arith.mulf %bitcast3A, %exp3A : vector<16xf32>
    %swap3A = arith.constant 0 : index
    %swap3A_32 = tpu.vector_load %arg8[%swap3A] {strides = array<i32>} : memref<16xf32, #tpu.memory_space<vmem>>, vector<16xf32>,
    tpu.vector_store %arg8[%swap3A], %mul3A_31 {strides = array<i32>} : memref<16xf32, #tpu.memory_space<vmem>>, vector<16xf32>,
    %dma_wait3A_33 = tpu.memref_slice %arg2[%mul3A_4] : memref<65616xi32, #tpu.memory_space<hbm>> -> memref<1024xi32, #tpu.memory_space<hbm>>
    %dma_wait3A_34 = tpu.memref_slice %arg2[%mul3A_4] : memref<65616xi32, #tpu.memory_space<hbm>> -> memref<1024xi32, #tpu.memory_space<hbm>>
    tpu.wait_dma2 semaphore(%arg10 : memref<!tpu.dma_semaphore, #tpu.memory_space<semaphore_mem>>) src(%dma_wait3A_34 : memref<1024xi32, #tpu.memory_space<hbm>>) dst(%arg4 : memref<1024xi32, #tpu.memory_space<vmem>>)
    %dma_wait3A_35 = tpu.memref_slice %arg2[%add3A_9] : memref<65616xi32, #tpu.memory_space<hbm>> -> memref<1024xi32, #tpu.memory_space<hbm>>
    %dma_wait3A_36 = tpu.memref_slice %arg2[%add3A_9] : memref<65616xi32, #tpu.memory_space<hbm>> -> memref<1024xi32, #tpu.memory_space<hbm>>
    tpu.wait_dma2 semaphore(%arg11 : memref<!tpu.dma_semaphore, #tpu.memory_space<semaphore_mem>>) src(%dma_wait3A_36 : memref<1024xi32, #tpu.memory_space<hbm>>) dst(%arg5 : memref<1024xi32, #tpu.memory_space<vmem>>)
    %scan3A = arith.constant 0 : i32
    %scan3A_37 = arith.constant 0 : i32
    %scan3A_38 = arith.constant 32 : i32
    %scan3A_39 = arith.addi %scan3A_37, %scan3A_38 : i32
    %scan3A_40 = arith.constant 1 : i32
    scf.for %scan3A_42 = %scan3A_37 to %scan3A_39 step %scan3A_40  : i32 {
      %mul3A_43 = arith.constant 16 : i32
      %mul3A_44 = arith.muli %scan3A_42, %mul3A_43 : i32
      %iota3A_45 = tpu.iota {dimensions = array<i32: 0>} : vector<16xi32>
      %add3A_46 = vector.broadcast %mul3A_44 : i32 to vector<16xi32>
      %add3A_47 = arith.addi %add3A_46, %iota3A_45 : vector<16xi32>
      %mul3A_48 = arith.constant 2 : i32
      %mul3A_49 = vector.broadcast %mul3A_48 : i32 to vector<16xi32>
      %mul3A_50 = arith.muli %mul3A_49, %add3A_47 : vector<16xi32>
      %gather3A = tpu.vector_load_idx %arg4[%mul3A_50] : memref<1024xi32, #tpu.memory_space<vmem>>[vector<16xi32>], vector<16xi32>,
      %add3A_51 = arith.constant 1 : i32
      %add3A_52 = vector.broadcast %add3A_51 : i32 to vector<16xi32>
      %add3A_53 = arith.addi %mul3A_50, %add3A_52 : vector<16xi32>
      %gather3A_54 = tpu.vector_load_idx %arg4[%add3A_53] : memref<1024xi32, #tpu.memory_space<vmem>>[vector<16xi32>], vector<16xi32>,
      %gather3A_55 = tpu.vector_load_idx %arg5[%mul3A_50] : memref<1024xi32, #tpu.memory_space<vmem>>[vector<16xi32>], vector<16xi32>,
      %add3A_56 = arith.constant 1 : i32
      %add3A_57 = vector.broadcast %add3A_56 : i32 to vector<16xi32>
      %add3A_58 = arith.addi %mul3A_50, %add3A_57 : vector<16xi32>
      %gather3A_59 = tpu.vector_load_idx %arg5[%add3A_58] : memref<1024xi32, #tpu.memory_space<vmem>>[vector<16xi32>], vector<16xi32>,
      %sub3A = arith.subi %gather3A, %gather3A_55 : vector<16xi32>
      %abs3A = math.absi %sub3A : vector<16xi32>
      %mul3A_60 = arith.constant 8 : i32
      %mul3A_61 = vector.broadcast %mul3A_60 : i32 to vector<16xi32>
      %mul3A_62 = arith.muli %gather3A_59, %mul3A_61 : vector<16xi32>
      %add3A_63 = arith.addi %mul3A_62, %gather3A_54 : vector<16xi32>
      %gather3A_64 = tpu.vector_load_idx %arg6[%add3A_63] : memref<64xi32, #tpu.memory_space<vmem>>[vector<16xi32>], vector<16xi32>,
      %bitcast3A_65 = vector.bitcast %gather3A_64 : vector<16xi32> to vector<16xf32>
      %gather3A_66 = tpu.vector_load_idx %arg8[%abs3A] : memref<16xf32, #tpu.memory_space<vmem>>[vector<16xi32>], vector<16xf32>,
      %mul3A_67 = arith.mulf %bitcast3A_65, %gather3A_66 : vector<16xf32>
      %mul3A_68 = arith.constant 16 : i32
      %mul3A_69 = arith.muli %scan3A_42, %mul3A_68 : i32
      %swap3A_70 = arith.index_cast %mul3A_69 : i32 to index
      %swap3A_71 = tpu.vector_load %arg9[%swap3A_70] {strides = array<i32>} : memref<512xf32, #tpu.memory_space<vmem>>, vector<16xf32>,
      tpu.vector_store %arg9[%swap3A_70], %mul3A_67 {strides = array<i32>} : memref<512xf32, #tpu.memory_space<vmem>>, vector<16xf32>,
    }
    %scan3A_41 = arith.constant 32 : i32
    "tpu.region"() ({
      %run_scoped3A = tpu.sem_alloc : memref<!tpu.dma_semaphore, #tpu.memory_space<semaphore_mem>>
      %dma_start3A_42 = tpu.memref_slice %arg3[%mul3A_2] : memref<16384xf32, #tpu.memory_space<hbm>> -> memref<512xf32, #tpu.memory_space<hbm>>
      %dma_start3A_43 = tpu.memref_slice %arg3[%mul3A_2] : memref<16384xf32, #tpu.memory_space<hbm>> -> memref<512xf32, #tpu.memory_space<hbm>>
      tpu.enqueue_dma source(%arg9 : memref<512xf32, #tpu.memory_space<vmem>>) target(%dma_start3A_43 : memref<512xf32, #tpu.memory_space<hbm>>) target_semaphore(%run_scoped3A : memref<!tpu.dma_semaphore, #tpu.memory_space<semaphore_mem>>)
      %dma_wait3A_44 = tpu.memref_slice %arg3[%mul3A_2] : memref<16384xf32, #tpu.memory_space<hbm>> -> memref<512xf32, #tpu.memory_space<hbm>>
      %dma_wait3A_45 = tpu.memref_slice %arg3[%mul3A_2] : memref<16384xf32, #tpu.memory_space<hbm>> -> memref<512xf32, #tpu.memory_space<hbm>>
      tpu.wait_dma2 semaphore(%run_scoped3A : memref<!tpu.dma_semaphore, #tpu.memory_space<semaphore_mem>>) src(%arg9 : memref<512xf32, #tpu.memory_space<vmem>>) dst(%dma_wait3A_45 : memref<512xf32, #tpu.memory_space<hbm>>)
      tpu.yield
    }) : () -> ()
    return
  }
}

</mosaic_0001>

<sc_bundles>
// kernel: kernel.3.cloned.1.call-start
scs
__scs_entry_jumppad:
0x0: {  	(pc) =	sbr.rel $0x88, $3  }
0x1: {  	(tag) =	ssettag $0x0;
	lr =	simm.s32 $0x1  }
0x2: {  	[smem:$0x3F9D] =	sst lr;
	_ =	strace $0xD0000000  }
0x3: {  	_ = 	snop  }
0x4: {  	_ = 	snop  }
0x5: {  	_ = 	snop  }
0x6: {  	_ = 	snop  }
0x7: {  	_ = 	snop  }
__scs_overlays_trampoline_lowered:
0x8: {  	[smem:$0x3FAC] =	sst s0  }
0x9: {  	[smem:$0x3FAD] =	sst s1  }
0xa: {  	[smem:$0x3FAE] =	sst s2  }
0xb: {  	[smem:$0x3FAF] =	sst s3  }
0xc: {  	[smem:$0x3FB0] =	sst s4  }
0xd: {  	[smem:$0x3FB1] =	sst s5  }
0xe: {  	[smem:$0x3FB2] =	sst s6  }
0xf: {  	[smem:$0x3FB3] =	sst s7  }
0x10: {  	[smem:$0x3FB4] =	sst s8  }
0x11: {  	[smem:$0x3FB5] =	sst s9;
	s0 =	simm.s32 @!p0 $0x0  }
0x12: {  	s1 =	sld [smem:$0x3F9B];
	s0 =	simm.s32 @p0 $0x1  }
0x13: {  	[smem:$0x3FB6] =	sst s0;
	s0 =	simm.s32 @!p1 $0x0  }
0x14: {  	s2 =	sld [smem:$0x3F9A];
	s0 =	simm.s32 @p1 $0x1  }
0x15: {  	[smem:$0x3FB7] =	sst s0;
	s0 =	simm.s32 @!p2 $0x0  }
0x16: {  	s3 =	sld [smem:$0x3FDB];
	s0 =	simm.s32 @p2 $0x1  }
0x17: {  	s4 =	simm.s32 $0x1BF5;
	[smem:$0x3FB9] =	sst s0  }
0x18: {  	s0 =	sld [smem:$0x3F9C];
	_ =	swait.ge [sflag:s4], $0x0  }
0x19: {  	s7 =	sld [smem:$0x3F9D]  }
0x1a: {  	s8 =	sadd.s32 $0xFFFFE003, lr  }
0x1b: {  	s9 =	sadd.s32 $0xFFFFFEF7, lr;
	s5 =	simm.s32 $0xFFFFFFFF;
	p2 =	slt.u32 s8, $0xFFFFF086  }
0x1c: {  	p1 =	slt.u32 s9, $0xF7A;
	s5 =	simm.s32 @!p2 $0x0  }
0x1d: {  	s5 =	simm.s32 @p1 $0x1;
	p0 =	seq.s32 s7, s2  }
0x1e: {  	s7 =	smul.u32 @!p0 $0xF7A, s2;
	p2 =	seq.s32 @!p0 s5, $0x0  }
0x1f: {  	s9 =	smul.u32 $0xF7A, s1;
	s8 =	simm.s32 @!p0 $0x1BF5;
	p2 =	por !p2, p0  }
0x20: {  	[sflag:s8] =	ssyncset.s32 @!p0 $0xFFFFF086;
	s6 =	sadd.s32 @!p0 s3, s7;
	s7 =	simm.s32 @!p0 $0x108  }
0x21: {  	s3 =	sadd.s32 s3, s9;
	s6 =	sadd.s32 @!p0 $0x88, s6;
	s7 =	simm.s32 @p2 $0x1082  }
0x22: {  	[simem:s7], [sflag:s8] =	dma.local @!p0 [hbm:s6], $0xF7A  }
0x23: {  	s9 =	sor.u32 $0xD0000000, s2;
	s6 =	simm.s32 $0x108;
	_ =	swait.ge @!p0 [sflag:s8], $0x0  }
0x24: {  	s3 =	sadd.s32 $0x88, s3;
	s6 =	simm.s32 @!p1 $0x1082;
	[sflag:s4] =	ssyncset.s32 $0xFFFFF086  }
0x25: {  	[simem:s6], [sflag:s4] =	dma.local [hbm:s3], $0xF7A  }
0x26: {  	[smem:$0x3F9D] =	sst s1;
	(tag) =	ssettag s2;
	_ =	strace s9  }
0x27: {  	s1 =	sld [smem:$0x3FAD]  }
0x28: {  	s2 =	sld [smem:$0x3FAE]  }
0x29: {  	s4 =	sld [smem:$0x3FB0]  }
0x2a: {  	p0 =	seq.s32 s5, $0x0;
	s5 =	sld [smem:$0x3FB1]  }
0x2b: {  	s6 =	sld [smem:$0x3FB2]  }
0x2c: {  	s7 =	sld [smem:$0x3FB3]  }
0x2d: {  	s3 =	simm.s32 $0x108;
	s8 =	sld [smem:$0x3FB4]  }
0x2e: {  	s3 =	simm.s32 @!p0 $0x1082;
	s9 =	sld [smem:$0x3FB5]  }
0x2f: {  	lr =	sadd.s32 s0, s3;
	s0 =	sld [smem:$0x3FAC]  }
0x30: {  	s3 =	sld [smem:$0x3FAF]  }
0x31: {  	[smem:$0x3FB8] =	sst s10  }
0x32: {  	s10 =	sld [smem:$0x3FB6];
	_ =	sdelay $0x3  }
0x33: {  	p0 =	seq.s32 s10, $0x1;
	s10 =	sld [smem:$0x3FB8];
	_ =	sdelay $0x3  }
0x34: {  	[smem:$0x3FB8] =	sst s10  }
0x35: {  	s10 =	sld [smem:$0x3FB7];
	_ =	sdelay $0x3  }
0x36: {  	p1 =	seq.s32 s10, $0x1;
	s10 =	sld [smem:$0x3FB8];
	_ =	sdelay $0x3  }
0x37: {  	[smem:$0x3FB8] =	sst s10  }
0x38: {  	s10 =	sld [smem:$0x3FB9]  }
0x39: {  	_ = 	snop;
	(pc) =	sbr.ind lr, $3  }
0x3a: {  	_ = 	snop  }
0x3b: {  	_ = 	snop  }
0x3c: {  	p2 =	seq.s32 s10, $0x1;
	s10 =	sld [smem:$0x3FB8]  }
0x3d: {  	_ =	shalt  }
0x3e: {  	_ =	shalt  }
0x3f: {  	_ =	shalt  }
0x40: {  	_ =	shalt  }
0x41: {  	_ =	shalt  }
0x42: {  	_ =	shalt  }
0x43: {  	_ =	shalt  }
0x44: {  	_ =	shalt  }
0x45: {  	_ =	shalt  }
0x46: {  	_ =	shalt  }
0x47: {  	_ =	shalt  }
0x48: {  	_ =	shalt  }
0x49: {  	_ =	shalt  }
0x4a: {  	_ =	shalt  }
0x4b: {  	_ =	shalt  }
0x4c: {  	_ =	shalt  }
0x4d: {  	_ =	shalt  }
0x4e: {  	_ =	shalt  }
0x4f: {  	_ =	shalt  }
0x50: {  	_ =	shalt  }
0x51: {  	_ =	shalt  }
0x52: {  	_ =	shalt  }
0x53: {  	_ =	shalt  }
0x54: {  	_ =	shalt  }
0x55: {  	_ =	shalt  }
0x56: {  	_ =	shalt  }
0x57: {  	_ =	shalt  }
0x58: {  	_ =	shalt  }
0x59: {  	_ =	shalt  }
0x5a: {  	_ =	shalt  }
0x5b: {  	_ =	shalt  }
0x5c: {  	_ =	shalt  }
0x5d: {  	_ =	shalt  }
0x5e: {  	_ =	shalt  }
0x5f: {  	_ =	shalt  }
0x60: {  	_ =	shalt  }
0x61: {  	_ =	shalt  }
0x62: {  	_ =	shalt  }
0x63: {  	_ =	shalt  }
0x64: {  	_ =	shalt  }
0x65: {  	_ =	shalt  }
0x66: {  	_ =	shalt  }
0x67: {  	_ =	shalt  }
0x68: {  	_ =	shalt  }
0x69: {  	_ =	shalt  }
0x6a: {  	_ =	shalt  }
0x6b: {  	_ =	shalt  }
0x6c: {  	_ =	shalt  }
0x6d: {  	_ =	shalt  }
0x6e: {  	_ =	shalt  }
0x6f: {  	_ =	shalt  }
0x70: {  	_ =	shalt  }
0x71: {  	_ =	shalt  }
0x72: {  	_ =	shalt  }
0x73: {  	_ =	shalt  }
0x74: {  	_ =	shalt  }
0x75: {  	_ =	shalt  }
0x76: {  	_ =	shalt  }
0x77: {  	_ =	shalt  }
0x78: {  	_ =	shalt  }
0x79: {  	_ =	shalt  }
0x7a: {  	_ =	shalt  }
0x7b: {  	_ =	shalt  }
0x7c: {  	_ =	shalt  }
0x7d: {  	_ =	shalt  }
0x7e: {  	_ =	shalt  }
0x7f: {  	_ =	shalt  }
0x80: {  	_ =	shalt  }
0x81: {  	_ =	shalt  }
0x82: {  	_ =	shalt  }
0x83: {  	_ =	shalt  }
0x84: {  	_ =	shalt  }
0x85: {  	_ =	shalt  }
0x86: {  	_ =	shalt  }
0x87: {  	_ =	shalt  }
.Lfunc_end0:
.L_simem_size_0:
called_computation_lowered:
.L_overlay_start_0:
0x88: {  	s2 =	sld [smem:$0x3FD9]  }
0x89: {  	s3 =	sld [smem:$0x3FFE];
	_ =	sdelay $0x1  }
0x8a: {  	s1 =	srdreg.scid  }
0x8b: {  	s0 =	sand.u32 $0x1, s1  }
0x8c: {  	s17 =	sshll.u32 s0, $0xA;
	s2 =	sadd.s32 s3, s2  }
0x8d: {  	s2 =	sadd.s32 s2, s17  }
0x8e: {  	[smem:$0x3FC4] =	sst s2  }
0x8f: {  	_ = 	snop  }
0x90: {  	s2 =	sld [smem:$0x3FD0];
	(tm) =	ssettm $0x1  }
0x91: {  	s18 =	sld [smem:$0x3FFB];
	_ =	sdelay $0x3  }
0x92: {  	_ =	strace s18  }
0x93: {  	s3 =	sld [smem:$0x3FFC];
	_ =	sdelay $0x3  }
0x94: {  	_ =	strace s3  }
0x95: {  	s3 =	sld [smem:$0x3FFD];
	_ =	sdelay $0x3  }
0x96: {  	_ =	strace s3  }
0x97: {  	_ =	strace $0x8FFFFFFF  }
0x98: {  	s19 =	sld [smem:$0x3FDB];
	_ =	sdelay $0x1  }
0x99: {  	s4 =	simm.s32 $_scs_section_size  }
0x9a: {  	s5 =	simm.s32 $_size__tile_overlayer_lowered;
	s6 =	simm.s32 $_tile_overlayer_lowered  }
0x9b: {  	s22 =	simm.s32 $0x1BFF;
	s21 =	sshll.u32 s6, $0x1;
	s3 =	sadd.s32 s4, s19  }
0x9c: {  	s7 =	simm.s32 $0x0;
	s20 =	sshll.u32 s5, $0x1;
	s5 =	sadd.s32 s21, s3  }
0x9d: {  	[timem:s7], [sflag:s22] =	dma.local [hbm:s5], s20  }
0x9e: {  	_ =	swait.ge [sflag:s22], s20  }
0x9f: {  	s4 =	ssub.s32 $0x0, s20;
	[sflag:s22] =	ssyncset.done $0x0  }
0xa0: {  	[sflag:s22] =	ssyncadd.s32 s4;
	_ =	sdelay $0x1  }
0xa1: {  	s23 =	simm.s32 $0x1B8B  }
0xa2: {  	_ =	swait.ge [sflag:s23], $0x1  }
0xa3: {  	[sflag:s23] =	ssyncset.done $0x0  }
0xa4: {  	s25 =	simm.s32 $0x1B8E;
	s24 =	sld [smem:$0x3FFE];
	[sflag:s23] =	ssyncadd.s32 $0xFFFFFFFF  }
0xa5: {  	s26 =	simm.s32 $execute0_lowered;
	[smem:$0x3FD2] =	sst s25  }
0xa6: {  	s5 =	sshll.u32 s26, $0x1;
	_ =	strace $0x80000046;
	[dreg:$0x1] =	wrdreg $0xFFFFFFFF  }
0xa7: {  	s28 =	simm.s32 $_size_execute0_lowered;
	s3 =	sadd.s32 s3, s5;
	[dreg:$0x0] =	wrdreg $0x0  }
0xa8: {  	s5 =	sshll.u32 s28, $0x1;
	[dreg:$0x2] =	wrdreg s3  }
0xa9: {  	[dreg:$0x3] =	wrdreg s5  }
0xaa: {  	[dreg:$0x4] =	wrdreg $0xC0  }
0xab: {  	_ =	task [dreg:s7], $0x5FFFF  }
0xac: {  	[dreg:$0x1] =	wrdreg $0xFFFFFFFF  }
0xad: {  	[dreg:$0x0] =	wrdreg $0x60  }
0xae: {  	[dreg:$0x2] =	wrdreg s24  }
0xaf: {  	[dreg:$0x3] =	wrdreg s2  }
0xb0: {  	[dreg:$0x4] =	wrdreg $0x9  }
0xb1: {  	_ =	task.clear_ibuf [dreg:s7], $0x5FFFF;
	_ =	strace $0x90000046  }
0xb2: {  	s29 =	simm.s32 $0x9;
	_ =	strace $0x80000048  }
0xb3: {  	_ =	swait.ge [sflag:s29], $0x1  }
0xb4: {  	[sflag:s29] =	ssyncadd.s32 $0xFFFFFFFF  }
0xb5: {  	_ =	strace $0x90000048  }
0xb6: {  	_ =	sfence  }
0xb7: {  	s30 =	sld [smem:$0x0];
	_ =	sdelay $0x2  }
0xb8: {  	s31 =	sshll.u32 s1, $0xD;
	s1 =	sshrl.u32 s1, $0x2  }
0xb9: {  	s3 =	sand.u32 $0x4000, s31;
	s1 =	sadd.s32 s1, s30  }
0xba: {  	s0 =	sor.u32 s3, s0;
	s1 =	sshll.u32 s1, $0x11  }
0xbb: {  	s0 =	sor.u32 s1, s0  }
0xbc: {  	s0 =	sadd.s32 $0x8F2B, s0  }
0xbd: {  	[sflag:s0] =	ssyncadd.remote.s32 $0x1  }
0xbe: {  	_ =	sfence.sel $0xFFFF  }
0xbf: {  	[dreg:$0x0] =	wrdreg $0xFFFFFFFF;
	(pc) =	sbr.abs _section_cstart, $3  }
0xc0: {  	[dreg:$0x1] =	wrdreg $0xFFFFFFFF  }
0xc1: {  	_ =	task.clear_ibuf [dreg:s7], $0x2FFFF;
	_ =	strace $0x9FFFFFFF  }
0xc2: {  	(tm) =	ssettm $0x7FFFFFFF  }
0xc3: {  	_ =	shalt  }
tec
execute0_lowered:
.L_overlay_start_1:
0x0: {  	(tag) =	ssettag $0x1  }
0x1: {  	v0 =	vimm.f32 $1.500000000e+01;
	vm0 =	vcmask $0x300  }
0x2: {  	vm14 =	vcmask $0x704;
	v0 =	vsel vm0, $0x0, v0  }
0x3: {  	vm15 =	vcmask $0xB08;
	v0 =	vsel vm14, $0x3F800000, v0  }
0x4: {  	s6 =	rddreg [dreg:$0x0];
	vm4 =	vcmask $0xF0C;
	v0 =	vsel vm15, $0x40000000, v0  }
0x5: {  	s7 =	rddreg [dreg:$0x1];
	vm5 =	vcmask $0x1310;
	v0 =	vsel vm4, $0x40400000, v0  }
0x6: {  	s2 =	srdreg.scid;
	s0 =	stileid.u32;
	vm6 =	vcmask $0x1714;
	v0 =	vsel vm5, $0x40800000, v0  }
0x7: {  	s1 =	rddreg [dreg:$0x2];
	vm7 =	vcmask $0x1B18;
	s10 =	simm.s32 $0x800;
	s11 =	simm.s32 $0x840;
	v0 =	vsel vm6, $0x40A00000, v0  }
0x8: {  	vm8 =	vcmask $0x1F1C;
	s12 =	simm.s32 $0x4;
	s13 =	simm.s32 $0x3;
	s14 =	simm.s32 $0x1;
	v0 =	vsel vm7, $0x40C00000, v0  }
0x9: {  	vm9 =	vcmask $0x2320;
	s15 =	simm.s32 $0x2;
	s16 =	simm.s32 $0x850;
	s17 =	simm.s32 $0x860;
	v0 =	vsel vm8, $0x40E00000, v0  }
0xa: {  	vm10 =	vcmask $0x2724;
	s18 =	simm.s32 $0x5;
	s3 =	sand.u32 $0x1, s2;
	s4 =	sshll.u32 s0, $0x1;
	v0 =	vsel vm9, $0x41000000, v0  }
0xb: {  	vm11 =	vcmask $0x2B28;
	s19 =	simm.s32 $0x0;
	s2 =	simm.s32 $0x0;
	s5 =	sor.u32 s3, s4;
	v0 =	vsel vm10, $0x41100000, v0  }
0xc: {  	vm12 =	vcmask $0x2F2C;
	s3 =	ssub.s32 $0x2, s3;
	[smem:$0x7FF] =	sst s2;
	s4 =	sshll.u32 s5, $0x7;
	v0 =	vsel vm11, $0x41200000, v0  }
0xd: {  	vm13 =	vcmask $0x3330;
	s8 =	sshrl.u32 s3, $0x1;
	_ =	strace $0x80000047;
	s9 =	sshll.u32 s5, $0x6;
	v0 =	vsel vm12, $0x41300000, v0  }
0xe: {  	vm14 =	vcmask $0x3734;
	s5 =	sadd.s32 $0x2600, s6;
	s4 =	sadd.s32 s4, s6;
	s8 =	ssub.s32 s3, s8;
	v0 =	vsel vm13, $0x41400000, v0  }
0xf: {  	v1 =	vlaneseq.u32;
	vm15 =	vcmask $0x3B38;
	s6 =	sadd.s32 $0x2608, s6;
	s7 =	sadd.s32 s7, s9;
	s9 =	simm.s32 $0x400;
	v0 =	vsel vm14, $0x41500000, v0  }
0x10: {  	v1 =	vmul.u32 $0x2, v1;
	s3 =	sadd.s32 $0x600, s4;
	s4 =	sadd.s32 $0x1600, s4;
	s8 =	smax.u32 s8, $0x1;
	v0 =	vsel vm15, $0x41600000, v0  }
.LBB2_1:
0x11: {  	[tilespmem:s2], [sflag:$0x1] =	stream.linear.gather [hbm4b:s3+s2], $0x400, $0x38;
	[tilespmem:$0xA60] =	vst v63  }
0x12: {  	_ = 	snop  }
0x13: {  	[tilespmem:s9], [sflag:$0x2] =	stream.linear.gather [hbm4b:s4+s2], $0x400, $0x38;
	[tilespmem:$0xA60] =	vst v63  }
0x14: {  	_ = 	snop  }
0x15: {  	[tilespmem:s10], [sflag:$0x3] =	stream.linear.gather [hbm4b:s5+s2], $0x40, $0x38;
	[tilespmem:$0xA60] =	vst v63  }
0x16: {  	_ = 	snop  }
0x17: {  	[tilespmem:s11], [sflag:$0x4] =	stream.linear.gather [hbm4b:s6+s2], $0x10, $0x38;
	[tilespmem:$0xA60] =	vst v63  }
0x18: {  	_ =	swait.ge [sflag:s12], $0x10  }
0x19: {  	[sflag:s12] =	ssyncset.done $0x0  }
0x1a: {  	[sflag:s12] =	ssyncadd.s32 $0xFFFFFFF0  }
0x1b: {  	_ =	swait.ge [sflag:s13], $0x40  }
0x1c: {  	[sflag:s13] =	ssyncset.done $0x0  }
0x1d: {  	[sflag:s13] =	ssyncadd.s32 $0xFFFFFFC0  }
0x1e: {  	v2 =	vld [tilespmem:$0x840];
	_ =	sdelay $0x4  }
0x1f: {  	v3 =	vsub.f32 $0.0e+00, v2;
	_ =	sdelay $0x1  }
0x20: {  	v3 =	vmul.f32 v0, v3;
	_ =	sdelay $0x1  }
0x21: {  	v3 =	vmul.f32 $1.442695020e+00, v3;
	_ =	sdelay $0x1  }
0x22: {  	(erf) = vpow2.f32 v3;
	_ =	sdelay $0x8  }
0x23: {  	v3 =	vpop (erf)  }
0x24: {  	v2 =	vmul.f32 v3, v2  }
0x25: {  	v3 =	vmov s2  }
0x26: {  	[tilespmem:$0x850] =	vst v2;
	v2 =	vshll.u32 v3, $0x1  }
0x27: {  	_ =	swait.ge [sflag:s14], $0x400;
	v2 =	vor.u32 v1, v2  }
0x28: {  	[sflag:s14] =	ssyncset.done $0x0;
	v3 =	vor.u32 $0x1, v2  }
0x29: {  	[sflag:s14] =	ssyncadd.s32 $0xFFFFFC00  }
0x2a: {  	_ =	swait.ge [sflag:s15], $0x400  }
0x2b: {  	[sflag:s15] =	ssyncset.done $0x0  }
0x2c: {  	[sflag:s15] =	ssyncadd.s32 $0xFFFFFC00  }
0x2d: {  	v4 =	vld.idx.msk [tilespmem:v3+s9+$0x0], $0xffff  }
0x2e: {  	v5 =	vld.idx.msk [tilespmem:v2+s9+$0x0], $0xffff  }
0x2f: {  	v2 =	vld.idx.msk [tilespmem:v2+s2+$0x0], $0xffff  }
0x30: {  	v3 =	vld.idx.msk [tilespmem:v3+s2+$0x0], $0xffff;
	_ =	sdelay $0x3  }
0x31: {  	v2 =	vsub.s32 v2, v5;
	v4 =	vshll.u32 v4, $0x3  }
0x32: {  	v5 =	vsub.s32 $0x0, v2;
	v3 =	vadd.s32 v3, v4  }
0x33: {  	v2 =	vmin.u32 v2, v5;
	_ =	sdelay $0x3  }
0x34: {  	s20 =	simm.s32 $0x10;
	v3 =	vld.idx.msk [tilespmem:v3+s10+$0x0], $0xffff  }
0x35: {  	v4 =	vmov s20;
	v2 =	vld.idx.msk [tilespmem:v2+s16+$0x0], $0xffff  }
0x36: {  	v4 =	vshll.u32 v4, $0x1  }
0x37: {  	v4 =	vor.u32 v1, v4  }
0x38: {  	v5 =	vor.u32 $0x1, v4;
	_ =	sdelay $0x1  }
0x39: {  	v2 =	vmul.f32 v3, v2;
	_ =	sdelay $0x1  }
0x3a: {  	[tilespmem:s17+$0x0] =	vst v2  }
0x3b: {  	v2 =	vld.idx.msk [tilespmem:v5+s9+$0x0], $0xffff  }
0x3c: {  	v3 =	vld.idx.msk [tilespmem:v4+s9+$0x0], $0xffff  }
0x3d: {  	v4 =	vld.idx.msk [tilespmem:v4+s2+$0x0], $0xffff  }
0x3e: {  	v5 =	vld.idx.msk [tilespmem:v5+s2+$0x0], $0xffff;
	_ =	sdelay $0x3  }
0x3f: {  	v3 =	vsub.s32 v4, v3;
	v2 =	vshll.u32 v2, $0x3  }
0x40: {  	v4 =	vsub.s32 $0x0, v3;
	v2 =	vadd.s32 v5, v2  }
0x41: {  	v3 =	vmin.u32 v3, v4;
	_ =	sdelay $0x1  }
0x42: {  	s31 =	simm.s32 $0x20  }
0x43: {  	v4 =	vmov s31  }
0x44: {  	v5 =	vshll.u32 v4, $0x1;
	v4 =	vld.idx.msk [tilespmem:v2+s10+$0x0], $0xffff  }
0x45: {  	v2 =	vor.u32 v1, v5;
	v5 =	vld.idx.msk [tilespmem:v3+s16+$0x0], $0xffff;
	_ =	sdelay $0x2  }
0x46: {  	s21 =	simm.s32 $0x30;
	s20 =	simm.s32 $0x860;
	v3 =	vor.u32 $0x1, v2  }
.LBB2_2:
0x47: {  	p0 =	sne.s32 s21, $0x1F0  }
0x48: {  	v4 =	vmul.f32 v4, v5  }
0x49: {  	s20 =	sadd.s32 $0x10, s20  }
0x4a: {  	[tilespmem:s20+$0x0] =	vst v4  }
0x4b: {  	v4 =	vld.idx.msk [tilespmem:v3+s9+$0x0], $0xffff  }
0x4c: {  	v5 =	vld.idx.msk [tilespmem:v2+s9+$0x0], $0xffff  }
0x4d: {  	v2 =	vld.idx.msk [tilespmem:v2+s2+$0x0], $0xffff  }
0x4e: {  	v3 =	vld.idx.msk [tilespmem:v3+s2+$0x0], $0xffff;
	_ =	sdelay $0x4  }
0x4f: {  	v4 =	vshll.u32 v4, $0x3;
	v2 =	vsub.s32 v2, v5  }
0x50: {  	v5 =	vsub.s32 $0x0, v2;
	v3 =	vadd.s32 v3, v4  }
0x51: {  	v2 =	vmin.u32 v2, v5;
	_ =	sdelay $0x3  }
0x52: {  	v4 =	vld.idx.msk [tilespmem:v3+s10+$0x0], $0xffff  }
.Ltmp0:
0x53: {  	v5 =	vld.idx.msk [tilespmem:v2+s16+$0x0], $0xffff;
	(pc) =	sbr.rel @p0 .LBB2_2-.Ltmp0, $4  }
0x54: {  	v2 =	vmov s21  }
0x55: {  	v2 =	vshll.u32 v2, $0x1  }
0x56: {  	v2 =	vor.u32 v1, v2  }
0x57: {  	s21 =	sadd.s32 $0x10, s21;
	v3 =	vor.u32 $0x1, v2  }
0x58: {  	_ = 	snop  }
0x59: {  	v4 =	vmul.f32 v4, v5  }
0x5a: {  	s20 =	sadd.s32 $0x10, s20  }
0x5b: {  	[tilespmem:s20+$0x0] =	vst v4  }
0x5c: {  	v4 =	vld.idx.msk [tilespmem:v3+s9+$0x0], $0xffff  }
0x5d: {  	v63 =	vld.idx.msk [tilespmem:v2+s9+$0x0], $0xffff  }
0x5e: {  	v2 =	vld.idx.msk [tilespmem:v2+s2+$0x0], $0xffff  }
0x5f: {  	v3 =	vld.idx.msk [tilespmem:v3+s2+$0x0], $0xffff;
	_ =	sdelay $0x3  }
0x60: {  	v2 =	vsub.s32 v2, v63;
	v4 =	vshll.u32 v4, $0x3  }
0x61: {  	v5 =	vsub.s32 $0x0, v2;
	v3 =	vadd.s32 v3, v4  }
0x62: {  	v2 =	vmin.u32 v2, v5;
	_ =	sdelay $0x3  }
0x63: {  	v3 =	vld.idx.msk [tilespmem:v3+s10+$0x0], $0xffff  }
0x64: {  	v2 =	vld.idx.msk [tilespmem:v2+s16+$0x0], $0xffff;
	_ =	sdelay $0x4  }
0x65: {  	s19 =	sadd.s32 $0x1, s19;
	v2 =	vmul.f32 v3, v2  }
0x66: {  	p0 =	sne.s32 s19, s8;
	s20 =	sadd.s32 $0x10, s20  }
.Ltmp1:
0x67: {  	[tilespmem:s20+$0x0] =	vst v2;
	(pc) =	sbr.rel @p0 .LBB2_1-.Ltmp1, $4  }
0x68: {  	[hbm4b:s7+s2] =	stream.linear.scatter [tilespmem:s17], [sflag:$0x5], $0x200, $0x38;
	[tilespmem:$0xA60] =	vst v63  }
0x69: {  	_ =	swait.ge [sflag:s18], $0x200  }
0x6a: {  	[sflag:s18] =	ssyncset.done $0x0  }
0x6b: {  	[sflag:s18] =	ssyncadd.s32 $0xFFFFFE00  }
0x6c: {  	_ =	sfence.sel $0x180000  }
0x6d: {  	[bflag:$0x0] =	sbarrier.arrive $0xFFFF  }
0x6e: {  	p0 =	sne.s32 s0, $0x0;
	_ =	strace $0x90000047  }
0x6f: {  	s0 =	sadd.s32 @!p0 $0x100000, s1;
	[bflag:$0x2] =	sbarrier.arrive $0xFFFF  }
0x70: {  	[sflag:s0] =	ssyncadd.tile.s32 @!p0 $0x1;
	_ =	shalt  }
.Lfunc_end2:
_tile_overlayer_lowered:
.L_overlay_start_2:
0x71: {  	(tag) =	ssettag $0x2  }
0x72: {  	s0 =	rddreg [dreg:$0x0];
	s2 =	stileid.u32  }
0x73: {  	s1 =	rddreg [dreg:$0x1];
	p0 =	sne.s32 s2, $0x0  }
0x74: {  	s3 =	rddreg [dreg:$0x2];
	[bflag:$0x3] =	sbarrier.arrive $0xFFFF;
	s2 =	simm.s32 @!p0 $0x1C05  }
0x75: {  	[timem:s3], [sflag:s2] =	dma.local @!p0 [hbm:s0], s1  }
0x76: {  	s0 =	simm.s32 @!p0 $0x5  }
0x77: {  	_ =	swait.ge @!p0 [sflag:s0], s1  }
0x78: {  	s1 =	ssub.s32 @!p0 $0x0, s1;
	[sflag:s0] =	ssyncset.done @!p0 $0x0  }
0x79: {  	[sflag:s0] =	ssyncadd.s32 @!p0 s1  }
0x7a: {  	[bflag:$0x3] =	sbarrier.arrive $0xFFFF  }
0x7b: {  	_ =	shalt  }

</sc_bundles>
